<compile_context>
chip_gen: v7x
topology: tpu7x:2x2x1
jax: 0.10.2.dev20260603
libtpu: 0.0.44.dev20260713+nightly
codegen_flags: <defaults>
</compile_context>

<pallas_src>
import functools

import jax
import jax.numpy as jnp
from jax import lax
from jax.experimental import pallas as pl
from jax.experimental.pallas import tpu as pltpu
from jax.experimental.pallas import tpu_sc as plsc

_NC = 2
_NS = 16


def kernel(x, W):
    B, P, D = x.shape
    nw = _NC * _NS
    ng = nw // 2
    nb = B // ng
    Dh = D // 2
    Wt = jnp.swapaxes(W, 0, 1)
    mesh = plsc.VectorSubcoreMesh(core_axis_name="c", subcore_axis_name="s")

    @functools.partial(
        pl.kernel,
        out_type=jax.ShapeDtypeStruct((B, D, P), W.dtype),
        mesh=mesh,
        scratch_types=[
            pltpu.VMEM((Dh, P), W.dtype),
            pltpu.SemaphoreType.DMA,
        ],
    )
    def sc_broadcast(w_hbm, out_hbm, wbuf, sem):
        c = lax.axis_index("c")
        s = lax.axis_index("s")
        wid = c * _NS + s
        half = wid % 2
        group = wid // 2
        pltpu.sync_copy(w_hbm.at[pl.ds(half * Dh, Dh)], wbuf)
        base = group * nb
        copies = [
            pltpu.make_async_copy(
                wbuf, out_hbm.at[base + i, pl.ds(half * Dh, Dh)], sem
            )
            for i in range(nb)
        ]
        for cp in copies:
            cp.start()
        for cp in copies:
            cp.wait()

    out_t = sc_broadcast(Wt)
    return jnp.swapaxes(out_t, 1, 2)

# --- scband reference (transcript-rebuilt; emitter-appended) ---
"""Pipeline reference for scband-positional-encoding-49795850830111 (READ-ONLY COPY).

The authoritative reference and input builder live on the scoring server;
editing this copy changes nothing except your own understanding.
"""

import jax, jax.numpy as jnp
import numpy as np

NUM_PATCHES = 1024
EMBED_DIM = 192
BATCH = 256

def setup_inputs(seed: int = 0) -> dict:
    key = jax.random.key(seed)
    k1, k2 = jax.random.split(key)
    x = jax.random.normal(k1, (BATCH, NUM_PATCHES, EMBED_DIM), dtype=jnp.float32)
    # nn.Embedding weight: normal(0,1) init, shape [num_patches, embedding_dim]
    W = jax.random.normal(k2, (NUM_PATCHES, EMBED_DIM), dtype=jnp.float32)
    return {"x": x, "W": W}

def reference(x, W):
    batch_size, num_patches, _ = x.shape
    positions = jnp.broadcast_to(jnp.arange(num_patches, dtype=jnp.int64)[None, :], (batch_size, num_patches))
    # embedding lookup: gather rows of W by positions -> [B, P, D]
    return jnp.take(W, positions, axis=0)

if __name__ == "__main__":
    import jax
    _d = setup_inputs()
    print(jax.jit(kernel)(*tuple(_d.values())))

</pallas_src>

<mosaic_0001>
#map = affine_map<(d0, d1) -> (0, 0)>
#map1 = affine_map<(d0, d1) -> (0, 0, 0)>
module attributes {stable_mosaic.version = 14 : i64} {
  func.func @sc_broadcast(%arg0: i32, %arg1: i32, %arg2: memref<192x1024xf32, #tpu.memory_space<hbm>>, %arg3: memref<256x192x1024xf32, #tpu.memory_space<hbm>>, %arg4: memref<96x1024xf32, #tpu.memory_space<vmem>>, %arg5: memref<!tpu.dma_semaphore, #tpu.memory_space<semaphore_mem>>) attributes {dimension_semantics = [#tpu.dimension_semantics<core_parallel>, #tpu.dimension_semantics<subcore_parallel>], iteration_bounds = array<i64: 2, 16>, scalar_prefetch = 0 : i64, scratch_operands = 2 : i64, tpu.core_type = #tpu.core_type<sc_vector_subcore>, window_params = [{transform_indices = #map}, {transform_indices = #map1}]} {
    %mul3A = arith.constant 16 : i32
    %mul3A_0 = arith.muli %arg0, %mul3A : i32
    %add3A = arith.addi %mul3A_0, %arg1 : i32
    %jit3A = arith.constant 2 : i32
    %eq3A = arith.constant 0 : i32
    %eq3A_1 = arith.cmpi eq, %jit3A, %eq3A : i32
    %jit3A_2 = arith.constant 1 : i32
    %select_n3A = arith.select %eq3A_1, %jit3A_2, %jit3A : i32
    %rem3A = arith.remsi %add3A, %select_n3A : i32
    %ne3A = arith.constant 0 : i32
    %ne3A_3 = arith.cmpi ne, %rem3A, %ne3A : i32
    %lt3A = arith.constant 0 : i32
    %lt3A_4 = arith.cmpi slt, %rem3A, %lt3A : i32
    %lt3A_5 = arith.constant 0 : i32
    %lt3A_6 = arith.cmpi slt, %select_n3A, %lt3A_5 : i32
    %ne3A_7 = arith.xori %lt3A_4, %lt3A_6 : i1
    %and3A = arith.andi %ne3A_7, %ne3A_3 : i1
    %add3A_8 = arith.addi %rem3A, %select_n3A : i32
    %select_n3A_9 = arith.select %and3A, %add3A_8, %rem3A : i32
    %jit3A_10 = arith.constant 2 : i32
    %div3A = arith.divsi %add3A, %jit3A_10 : i32
    %sign3A = arith.constant 0 : i32
    %sign3A_11 = arith.cmpi sgt, %add3A, %sign3A : i32
    %sign3A_12 = arith.extui %sign3A_11 : i1 to i32
    %sign3A_13 = arith.constant 0 : i32
    %sign3A_14 = arith.cmpi slt, %add3A, %sign3A_13 : i32
    %sign3A_15 = arith.extui %sign3A_14 : i1 to i32
    %sign3A_16 = arith.subi %sign3A_12, %sign3A_15 : i32
    %sign3A_17 = arith.constant 0 : i32
    %sign3A_18 = arith.cmpi sgt, %jit3A_10, %sign3A_17 : i32
    %sign3A_19 = arith.extui %sign3A_18 : i1 to i32
    %sign3A_20 = arith.constant 0 : i32
    %sign3A_21 = arith.cmpi slt, %jit3A_10, %sign3A_20 : i32
    %sign3A_22 = arith.extui %sign3A_21 : i1 to i32
    %sign3A_23 = arith.subi %sign3A_19, %sign3A_22 : i32
    %ne3A_24 = arith.cmpi ne, %sign3A_16, %sign3A_23 : i32
    %rem3A_25 = arith.remsi %add3A, %jit3A_10 : i32
    %ne3A_26 = arith.constant 0 : i32
    %ne3A_27 = arith.cmpi ne, %rem3A_25, %ne3A_26 : i32
    %and3A_28 = arith.andi %ne3A_24, %ne3A_27 : i1
    %sub3A = arith.constant 1 : i32
    %sub3A_29 = arith.subi %div3A, %sub3A : i32
    %select_n3A_30 = arith.select %and3A_28, %sub3A_29, %div3A : i32
    %mul3A_31 = arith.constant 96 : i32
    %mul3A_32 = arith.muli %select_n3A_9, %mul3A_31 : i32
    "tpu.region"() ({
      %run_scoped3A = tpu.sem_alloc : memref<!tpu.dma_semaphore, #tpu.memory_space<semaphore_mem>>
      %dma_start3A_289 = arith.constant 0 : i32
      %dma_start3A_290 = tpu.memref_slice %arg2[%mul3A_32, %dma_start3A_289] : memref<192x1024xf32, #tpu.memory_space<hbm>> -> memref<96x1024xf32, #tpu.memory_space<hbm>>
      %dma_start3A_291 = arith.constant 0 : i32
      %dma_start3A_292 = tpu.memref_slice %arg2[%mul3A_32, %dma_start3A_291] : memref<192x1024xf32, #tpu.memory_space<hbm>> -> memref<96x1024xf32, #tpu.memory_space<hbm>>
      tpu.enqueue_dma source(%dma_start3A_292 : memref<96x1024xf32, #tpu.memory_space<hbm>>) target(%arg4 : memref<96x1024xf32, #tpu.memory_space<vmem>>) target_semaphore(%run_scoped3A : memref<!tpu.dma_semaphore, #tpu.memory_space<semaphore_mem>>)
      %dma_wait3A_293 = arith.constant 0 : i32
      %dma_wait3A_294 = tpu.memref_slice %arg2[%mul3A_32, %dma_wait3A_293] : memref<192x1024xf32, #tpu.memory_space<hbm>> -> memref<96x1024xf32, #tpu.memory_space<hbm>>
      %dma_wait3A_295 = arith.constant 0 : i32
      %dma_wait3A_296 = tpu.memref_slice %arg2[%mul3A_32, %dma_wait3A_295] : memref<192x1024xf32, #tpu.memory_space<hbm>> -> memref<96x1024xf32, #tpu.memory_space<hbm>>
      tpu.wait_dma2 semaphore(%run_scoped3A : memref<!tpu.dma_semaphore, #tpu.memory_space<semaphore_mem>>) src(%dma_wait3A_296 : memref<96x1024xf32, #tpu.memory_space<hbm>>) dst(%arg4 : memref<96x1024xf32, #tpu.memory_space<vmem>>)
      tpu.yield
    }) : () -> ()
    %mul3A_33 = arith.constant 16 : i32
    %mul3A_34 = arith.muli %select_n3A_30, %mul3A_33 : i32
    %add3A_35 = arith.constant 0 : i32
    %add3A_36 = arith.addi %mul3A_34, %add3A_35 : i32
    %mul3A_37 = arith.constant 96 : i32
    %mul3A_38 = arith.muli %select_n3A_9, %mul3A_37 : i32
    %add3A_39 = arith.constant 1 : i32
    %add3A_40 = arith.addi %mul3A_34, %add3A_39 : i32
    %mul3A_41 = arith.constant 96 : i32
    %mul3A_42 = arith.muli %select_n3A_9, %mul3A_41 : i32
    %add3A_43 = arith.constant 2 : i32
    %add3A_44 = arith.addi %mul3A_34, %add3A_43 : i32
    %mul3A_45 = arith.constant 96 : i32
    %mul3A_46 = arith.muli %select_n3A_9, %mul3A_45 : i32
    %add3A_47 = arith.constant 3 : i32
    %add3A_48 = arith.addi %mul3A_34, %add3A_47 : i32
    %mul3A_49 = arith.constant 96 : i32
    %mul3A_50 = arith.muli %select_n3A_9, %mul3A_49 : i32
    %add3A_51 = arith.constant 4 : i32
    %add3A_52 = arith.addi %mul3A_34, %add3A_51 : i32
    %mul3A_53 = arith.constant 96 : i32
    %mul3A_54 = arith.muli %select_n3A_9, %mul3A_53 : i32
    %add3A_55 = arith.constant 5 : i32
    %add3A_56 = arith.addi %mul3A_34, %add3A_55 : i32
    %mul3A_57 = arith.constant 96 : i32
    %mul3A_58 = arith.muli %select_n3A_9, %mul3A_57 : i32
    %add3A_59 = arith.constant 6 : i32
    %add3A_60 = arith.addi %mul3A_34, %add3A_59 : i32
    %mul3A_61 = arith.constant 96 : i32
    %mul3A_62 = arith.muli %select_n3A_9, %mul3A_61 : i32
    %add3A_63 = arith.constant 7 : i32
    %add3A_64 = arith.addi %mul3A_34, %add3A_63 : i32
    %mul3A_65 = arith.constant 96 : i32
    %mul3A_66 = arith.muli %select_n3A_9, %mul3A_65 : i32
    %add3A_67 = arith.constant 8 : i32
    %add3A_68 = arith.addi %mul3A_34, %add3A_67 : i32
    %mul3A_69 = arith.constant 96 : i32
    %mul3A_70 = arith.muli %select_n3A_9, %mul3A_69 : i32
    %add3A_71 = arith.constant 9 : i32
    %add3A_72 = arith.addi %mul3A_34, %add3A_71 : i32
    %mul3A_73 = arith.constant 96 : i32
    %mul3A_74 = arith.muli %select_n3A_9, %mul3A_73 : i32
    %add3A_75 = arith.constant 10 : i32
    %add3A_76 = arith.addi %mul3A_34, %add3A_75 : i32
    %mul3A_77 = arith.constant 96 : i32
    %mul3A_78 = arith.muli %select_n3A_9, %mul3A_77 : i32
    %add3A_79 = arith.constant 11 : i32
    %add3A_80 = arith.addi %mul3A_34, %add3A_79 : i32
    %mul3A_81 = arith.constant 96 : i32
    %mul3A_82 = arith.muli %select_n3A_9, %mul3A_81 : i32
    %add3A_83 = arith.constant 12 : i32
    %add3A_84 = arith.addi %mul3A_34, %add3A_83 : i32
    %mul3A_85 = arith.constant 96 : i32
    %mul3A_86 = arith.muli %select_n3A_9, %mul3A_85 : i32
    %add3A_87 = arith.constant 13 : i32
    %add3A_88 = arith.addi %mul3A_34, %add3A_87 : i32
    %mul3A_89 = arith.constant 96 : i32
    %mul3A_90 = arith.muli %select_n3A_9, %mul3A_89 : i32
    %add3A_91 = arith.constant 14 : i32
    %add3A_92 = arith.addi %mul3A_34, %add3A_91 : i32
    %mul3A_93 = arith.constant 96 : i32
    %mul3A_94 = arith.muli %select_n3A_9, %mul3A_93 : i32
    %add3A_95 = arith.constant 15 : i32
    %add3A_96 = arith.addi %mul3A_34, %add3A_95 : i32
    %mul3A_97 = arith.constant 96 : i32
    %mul3A_98 = arith.muli %select_n3A_9, %mul3A_97 : i32
    %dma_start3A = arith.constant 0 : i32
    %dma_start3A_99 = tpu.memref_slice %arg3[%add3A_36, %mul3A_38, %dma_start3A] : memref<256x192x1024xf32, #tpu.memory_space<hbm>> -> memref<1x96x1024xf32, #tpu.memory_space<hbm>>
    %dma_start3A_100 = tpu.memref_squeeze %dma_start3A_99 : memref<1x96x1024xf32, #tpu.memory_space<hbm>> -> memref<96x1024xf32, #tpu.memory_space<hbm>>
    %dma_start3A_101 = arith.constant 0 : i32
    %dma_start3A_102 = tpu.memref_slice %arg3[%add3A_36, %mul3A_38, %dma_start3A_101] : memref<256x192x1024xf32, #tpu.memory_space<hbm>> -> memref<1x96x1024xf32, #tpu.memory_space<hbm>>
    %dma_start3A_103 = tpu.memref_squeeze %dma_start3A_102 : memref<1x96x1024xf32, #tpu.memory_space<hbm>> -> memref<96x1024xf32, #tpu.memory_space<hbm>>
    tpu.enqueue_dma source(%arg4 : memref<96x1024xf32, #tpu.memory_space<vmem>>) target(%dma_start3A_103 : memref<96x1024xf32, #tpu.memory_space<hbm>>) target_semaphore(%arg5 : memref<!tpu.dma_semaphore, #tpu.memory_space<semaphore_mem>>)
    %dma_start3A_104 = arith.constant 0 : i32
    %dma_start3A_105 = tpu.memref_slice %arg3[%add3A_40, %mul3A_42, %dma_start3A_104] : memref<256x192x1024xf32, #tpu.memory_space<hbm>> -> memref<1x96x1024xf32, #tpu.memory_space<hbm>>
    %dma_start3A_106 = tpu.memref_squeeze %dma_start3A_105 : memref<1x96x1024xf32, #tpu.memory_space<hbm>> -> memref<96x1024xf32, #tpu.memory_space<hbm>>
    %dma_start3A_107 = arith.constant 0 : i32
    %dma_start3A_108 = tpu.memref_slice %arg3[%add3A_40, %mul3A_42, %dma_start3A_107] : memref<256x192x1024xf32, #tpu.memory_space<hbm>> -> memref<1x96x1024xf32, #tpu.memory_space<hbm>>
    %dma_start3A_109 = tpu.memref_squeeze %dma_start3A_108 : memref<1x96x1024xf32, #tpu.memory_space<hbm>> -> memref<96x1024xf32, #tpu.memory_space<hbm>>
    tpu.enqueue_dma source(%arg4 : memref<96x1024xf32, #tpu.memory_space<vmem>>) target(%dma_start3A_109 : memref<96x1024xf32, #tpu.memory_space<hbm>>) target_semaphore(%arg5 : memref<!tpu.dma_semaphore, #tpu.memory_space<semaphore_mem>>)
    %dma_start3A_110 = arith.constant 0 : i32
    %dma_start3A_111 = tpu.memref_slice %arg3[%add3A_44, %mul3A_46, %dma_start3A_110] : memref<256x192x1024xf32, #tpu.memory_space<hbm>> -> memref<1x96x1024xf32, #tpu.memory_space<hbm>>
    %dma_start3A_112 = tpu.memref_squeeze %dma_start3A_111 : memref<1x96x1024xf32, #tpu.memory_space<hbm>> -> memref<96x1024xf32, #tpu.memory_space<hbm>>
    %dma_start3A_113 = arith.constant 0 : i32
    %dma_start3A_114 = tpu.memref_slice %arg3[%add3A_44, %mul3A_46, %dma_start3A_113] : memref<256x192x1024xf32, #tpu.memory_space<hbm>> -> memref<1x96x1024xf32, #tpu.memory_space<hbm>>
    %dma_start3A_115 = tpu.memref_squeeze %dma_start3A_114 : memref<1x96x1024xf32, #tpu.memory_space<hbm>> -> memref<96x1024xf32, #tpu.memory_space<hbm>>
    tpu.enqueue_dma source(%arg4 : memref<96x1024xf32, #tpu.memory_space<vmem>>) target(%dma_start3A_115 : memref<96x1024xf32, #tpu.memory_space<hbm>>) target_semaphore(%arg5 : memref<!tpu.dma_semaphore, #tpu.memory_space<semaphore_mem>>)
    %dma_start3A_116 = arith.constant 0 : i32
    %dma_start3A_117 = tpu.memref_slice %arg3[%add3A_48, %mul3A_50, %dma_start3A_116] : memref<256x192x1024xf32, #tpu.memory_space<hbm>> -> memref<1x96x1024xf32, #tpu.memory_space<hbm>>
    %dma_start3A_118 = tpu.memref_squeeze %dma_start3A_117 : memref<1x96x1024xf32, #tpu.memory_space<hbm>> -> memref<96x1024xf32, #tpu.memory_space<hbm>>
    %dma_start3A_119 = arith.constant 0 : i32
    %dma_start3A_120 = tpu.memref_slice %arg3[%add3A_48, %mul3A_50, %dma_start3A_119] : memref<256x192x1024xf32, #tpu.memory_space<hbm>> -> memref<1x96x1024xf32, #tpu.memory_space<hbm>>
    %dma_start3A_121 = tpu.memref_squeeze %dma_start3A_120 : memref<1x96x1024xf32, #tpu.memory_space<hbm>> -> memref<96x1024xf32, #tpu.memory_space<hbm>>
    tpu.enqueue_dma source(%arg4 : memref<96x1024xf32, #tpu.memory_space<vmem>>) target(%dma_start3A_121 : memref<96x1024xf32, #tpu.memory_space<hbm>>) target_semaphore(%arg5 : memref<!tpu.dma_semaphore, #tpu.memory_space<semaphore_mem>>)
    %dma_start3A_122 = arith.constant 0 : i32
    %dma_start3A_123 = tpu.memref_slice %arg3[%add3A_52, %mul3A_54, %dma_start3A_122] : memref<256x192x1024xf32, #tpu.memory_space<hbm>> -> memref<1x96x1024xf32, #tpu.memory_space<hbm>>
    %dma_start3A_124 = tpu.memref_squeeze %dma_start3A_123 : memref<1x96x1024xf32, #tpu.memory_space<hbm>> -> memref<96x1024xf32, #tpu.memory_space<hbm>>
    %dma_start3A_125 = arith.constant 0 : i32
    %dma_start3A_126 = tpu.memref_slice %arg3[%add3A_52, %mul3A_54, %dma_start3A_125] : memref<256x192x1024xf32, #tpu.memory_space<hbm>> -> memref<1x96x1024xf32, #tpu.memory_space<hbm>>
    %dma_start3A_127 = tpu.memref_squeeze %dma_start3A_126 : memref<1x96x1024xf32, #tpu.memory_space<hbm>> -> memref<96x1024xf32, #tpu.memory_space<hbm>>
    tpu.enqueue_dma source(%arg4 : memref<96x1024xf32, #tpu.memory_space<vmem>>) target(%dma_start3A_127 : memref<96x1024xf32, #tpu.memory_space<hbm>>) target_semaphore(%arg5 : memref<!tpu.dma_semaphore, #tpu.memory_space<semaphore_mem>>)
    %dma_start3A_128 = arith.constant 0 : i32
    %dma_start3A_129 = tpu.memref_slice %arg3[%add3A_56, %mul3A_58, %dma_start3A_128] : memref<256x192x1024xf32, #tpu.memory_space<hbm>> -> memref<1x96x1024xf32, #tpu.memory_space<hbm>>
    %dma_start3A_130 = tpu.memref_squeeze %dma_start3A_129 : memref<1x96x1024xf32, #tpu.memory_space<hbm>> -> memref<96x1024xf32, #tpu.memory_space<hbm>>
    %dma_start3A_131 = arith.constant 0 : i32
    %dma_start3A_132 = tpu.memref_slice %arg3[%add3A_56, %mul3A_58, %dma_start3A_131] : memref<256x192x1024xf32, #tpu.memory_space<hbm>> -> memref<1x96x1024xf32, #tpu.memory_space<hbm>>
    %dma_start3A_133 = tpu.memref_squeeze %dma_start3A_132 : memref<1x96x1024xf32, #tpu.memory_space<hbm>> -> memref<96x1024xf32, #tpu.memory_space<hbm>>
    tpu.enqueue_dma source(%arg4 : memref<96x1024xf32, #tpu.memory_space<vmem>>) target(%dma_start3A_133 : memref<96x1024xf32, #tpu.memory_space<hbm>>) target_semaphore(%arg5 : memref<!tpu.dma_semaphore, #tpu.memory_space<semaphore_mem>>)
    %dma_start3A_134 = arith.constant 0 : i32
    %dma_start3A_135 = tpu.memref_slice %arg3[%add3A_60, %mul3A_62, %dma_start3A_134] : memref<256x192x1024xf32, #tpu.memory_space<hbm>> -> memref<1x96x1024xf32, #tpu.memory_space<hbm>>
    %dma_start3A_136 = tpu.memref_squeeze %dma_start3A_135 : memref<1x96x1024xf32, #tpu.memory_space<hbm>> -> memref<96x1024xf32, #tpu.memory_space<hbm>>
    %dma_start3A_137 = arith.constant 0 : i32
    %dma_start3A_138 = tpu.memref_slice %arg3[%add3A_60, %mul3A_62, %dma_start3A_137] : memref<256x192x1024xf32, #tpu.memory_space<hbm>> -> memref<1x96x1024xf32, #tpu.memory_space<hbm>>
    %dma_start3A_139 = tpu.memref_squeeze %dma_start3A_138 : memref<1x96x1024xf32, #tpu.memory_space<hbm>> -> memref<96x1024xf32, #tpu.memory_space<hbm>>
    tpu.enqueue_dma source(%arg4 : memref<96x1024xf32, #tpu.memory_space<vmem>>) target(%dma_start3A_139 : memref<96x1024xf32, #tpu.memory_space<hbm>>) target_semaphore(%arg5 : memref<!tpu.dma_semaphore, #tpu.memory_space<semaphore_mem>>)
    %dma_start3A_140 = arith.constant 0 : i32
    %dma_start3A_141 = tpu.memref_slice %arg3[%add3A_64, %mul3A_66, %dma_start3A_140] : memref<256x192x1024xf32, #tpu.memory_space<hbm>> -> memref<1x96x1024xf32, #tpu.memory_space<hbm>>
    %dma_start3A_142 = tpu.memref_squeeze %dma_start3A_141 : memref<1x96x1024xf32, #tpu.memory_space<hbm>> -> memref<96x1024xf32, #tpu.memory_space<hbm>>
    %dma_start3A_143 = arith.constant 0 : i32
    %dma_start3A_144 = tpu.memref_slice %arg3[%add3A_64, %mul3A_66, %dma_start3A_143] : memref<256x192x1024xf32, #tpu.memory_space<hbm>> -> memref<1x96x1024xf32, #tpu.memory_space<hbm>>
    %dma_start3A_145 = tpu.memref_squeeze %dma_start3A_144 : memref<1x96x1024xf32, #tpu.memory_space<hbm>> -> memref<96x1024xf32, #tpu.memory_space<hbm>>
    tpu.enqueue_dma source(%arg4 : memref<96x1024xf32, #tpu.memory_space<vmem>>) target(%dma_start3A_145 : memref<96x1024xf32, #tpu.memory_space<hbm>>) target_semaphore(%arg5 : memref<!tpu.dma_semaphore, #tpu.memory_space<semaphore_mem>>)
    %dma_start3A_146 = arith.constant 0 : i32
    %dma_start3A_147 = tpu.memref_slice %arg3[%add3A_68, %mul3A_70, %dma_start3A_146] : memref<256x192x1024xf32, #tpu.memory_space<hbm>> -> memref<1x96x1024xf32, #tpu.memory_space<hbm>>
    %dma_start3A_148 = tpu.memref_squeeze %dma_start3A_147 : memref<1x96x1024xf32, #tpu.memory_space<hbm>> -> memref<96x1024xf32, #tpu.memory_space<hbm>>
    %dma_start3A_149 = arith.constant 0 : i32
    %dma_start3A_150 = tpu.memref_slice %arg3[%add3A_68, %mul3A_70, %dma_start3A_149] : memref<256x192x1024xf32, #tpu.memory_space<hbm>> -> memref<1x96x1024xf32, #tpu.memory_space<hbm>>
    %dma_start3A_151 = tpu.memref_squeeze %dma_start3A_150 : memref<1x96x1024xf32, #tpu.memory_space<hbm>> -> memref<96x1024xf32, #tpu.memory_space<hbm>>
    tpu.enqueue_dma source(%arg4 : memref<96x1024xf32, #tpu.memory_space<vmem>>) target(%dma_start3A_151 : memref<96x1024xf32, #tpu.memory_space<hbm>>) target_semaphore(%arg5 : memref<!tpu.dma_semaphore, #tpu.memory_space<semaphore_mem>>)
    %dma_start3A_152 = arith.constant 0 : i32
    %dma_start3A_153 = tpu.memref_slice %arg3[%add3A_72, %mul3A_74, %dma_start3A_152] : memref<256x192x1024xf32, #tpu.memory_space<hbm>> -> memref<1x96x1024xf32, #tpu.memory_space<hbm>>
    %dma_start3A_154 = tpu.memref_squeeze %dma_start3A_153 : memref<1x96x1024xf32, #tpu.memory_space<hbm>> -> memref<96x1024xf32, #tpu.memory_space<hbm>>
    %dma_start3A_155 = arith.constant 0 : i32
    %dma_start3A_156 = tpu.memref_slice %arg3[%add3A_72, %mul3A_74, %dma_start3A_155] : memref<256x192x1024xf32, #tpu.memory_space<hbm>> -> memref<1x96x1024xf32, #tpu.memory_space<hbm>>
    %dma_start3A_157 = tpu.memref_squeeze %dma_start3A_156 : memref<1x96x1024xf32, #tpu.memory_space<hbm>> -> memref<96x1024xf32, #tpu.memory_space<hbm>>
    tpu.enqueue_dma source(%arg4 : memref<96x1024xf32, #tpu.memory_space<vmem>>) target(%dma_start3A_157 : memref<96x1024xf32, #tpu.memory_space<hbm>>) target_semaphore(%arg5 : memref<!tpu.dma_semaphore, #tpu.memory_space<semaphore_mem>>)
    %dma_start3A_158 = arith.constant 0 : i32
    %dma_start3A_159 = tpu.memref_slice %arg3[%add3A_76, %mul3A_78, %dma_start3A_158] : memref<256x192x1024xf32, #tpu.memory_space<hbm>> -> memref<1x96x1024xf32, #tpu.memory_space<hbm>>
    %dma_start3A_160 = tpu.memref_squeeze %dma_start3A_159 : memref<1x96x1024xf32, #tpu.memory_space<hbm>> -> memref<96x1024xf32, #tpu.memory_space<hbm>>
    %dma_start3A_161 = arith.constant 0 : i32
    %dma_start3A_162 = tpu.memref_slice %arg3[%add3A_76, %mul3A_78, %dma_start3A_161] : memref<256x192x1024xf32, #tpu.memory_space<hbm>> -> memref<1x96x1024xf32, #tpu.memory_space<hbm>>
    %dma_start3A_163 = tpu.memref_squeeze %dma_start3A_162 : memref<1x96x1024xf32, #tpu.memory_space<hbm>> -> memref<96x1024xf32, #tpu.memory_space<hbm>>
    tpu.enqueue_dma source(%arg4 : memref<96x1024xf32, #tpu.memory_space<vmem>>) target(%dma_start3A_163 : memref<96x1024xf32, #tpu.memory_space<hbm>>) target_semaphore(%arg5 : memref<!tpu.dma_semaphore, #tpu.memory_space<semaphore_mem>>)
    %dma_start3A_164 = arith.constant 0 : i32
    %dma_start3A_165 = tpu.memref_slice %arg3[%add3A_80, %mul3A_82, %dma_start3A_164] : memref<256x192x1024xf32, #tpu.memory_space<hbm>> -> memref<1x96x1024xf32, #tpu.memory_space<hbm>>
    %dma_start3A_166 = tpu.memref_squeeze %dma_start3A_165 : memref<1x96x1024xf32, #tpu.memory_space<hbm>> -> memref<96x1024xf32, #tpu.memory_space<hbm>>
    %dma_start3A_167 = arith.constant 0 : i32
    %dma_start3A_168 = tpu.memref_slice %arg3[%add3A_80, %mul3A_82, %dma_start3A_167] : memref<256x192x1024xf32, #tpu.memory_space<hbm>> -> memref<1x96x1024xf32, #tpu.memory_space<hbm>>
    %dma_start3A_169 = tpu.memref_squeeze %dma_start3A_168 : memref<1x96x1024xf32, #tpu.memory_space<hbm>> -> memref<96x1024xf32, #tpu.memory_space<hbm>>
    tpu.enqueue_dma source(%arg4 : memref<96x1024xf32, #tpu.memory_space<vmem>>) target(%dma_start3A_169 : memref<96x1024xf32, #tpu.memory_space<hbm>>) target_semaphore(%arg5 : memref<!tpu.dma_semaphore, #tpu.memory_space<semaphore_mem>>)
    %dma_start3A_170 = arith.constant 0 : i32
    %dma_start3A_171 = tpu.memref_slice %arg3[%add3A_84, %mul3A_86, %dma_start3A_170] : memref<256x192x1024xf32, #tpu.memory_space<hbm>> -> memref<1x96x1024xf32, #tpu.memory_space<hbm>>
    %dma_start3A_172 = tpu.memref_squeeze %dma_start3A_171 : memref<1x96x1024xf32, #tpu.memory_space<hbm>> -> memref<96x1024xf32, #tpu.memory_space<hbm>>
    %dma_start3A_173 = arith.constant 0 : i32
    %dma_start3A_174 = tpu.memref_slice %arg3[%add3A_84, %mul3A_86, %dma_start3A_173] : memref<256x192x1024xf32, #tpu.memory_space<hbm>> -> memref<1x96x1024xf32, #tpu.memory_space<hbm>>
    %dma_start3A_175 = tpu.memref_squeeze %dma_start3A_174 : memref<1x96x1024xf32, #tpu.memory_space<hbm>> -> memref<96x1024xf32, #tpu.memory_space<hbm>>
    tpu.enqueue_dma source(%arg4 : memref<96x1024xf32, #tpu.memory_space<vmem>>) target(%dma_start3A_175 : memref<96x1024xf32, #tpu.memory_space<hbm>>) target_semaphore(%arg5 : memref<!tpu.dma_semaphore, #tpu.memory_space<semaphore_mem>>)
    %dma_start3A_176 = arith.constant 0 : i32
    %dma_start3A_177 = tpu.memref_slice %arg3[%add3A_88, %mul3A_90, %dma_start3A_176] : memref<256x192x1024xf32, #tpu.memory_space<hbm>> -> memref<1x96x1024xf32, #tpu.memory_space<hbm>>
    %dma_start3A_178 = tpu.memref_squeeze %dma_start3A_177 : memref<1x96x1024xf32, #tpu.memory_space<hbm>> -> memref<96x1024xf32, #tpu.memory_space<hbm>>
    %dma_start3A_179 = arith.constant 0 : i32
    %dma_start3A_180 = tpu.memref_slice %arg3[%add3A_88, %mul3A_90, %dma_start3A_179] : memref<256x192x1024xf32, #tpu.memory_space<hbm>> -> memref<1x96x1024xf32, #tpu.memory_space<hbm>>
    %dma_start3A_181 = tpu.memref_squeeze %dma_start3A_180 : memref<1x96x1024xf32, #tpu.memory_space<hbm>> -> memref<96x1024xf32, #tpu.memory_space<hbm>>
    tpu.enqueue_dma source(%arg4 : memref<96x1024xf32, #tpu.memory_space<vmem>>) target(%dma_start3A_181 : memref<96x1024xf32, #tpu.memory_space<hbm>>) target_semaphore(%arg5 : memref<!tpu.dma_semaphore, #tpu.memory_space<semaphore_mem>>)
    %dma_start3A_182 = arith.constant 0 : i32
    %dma_start3A_183 = tpu.memref_slice %arg3[%add3A_92, %mul3A_94, %dma_start3A_182] : memref<256x192x1024xf32, #tpu.memory_space<hbm>> -> memref<1x96x1024xf32, #tpu.memory_space<hbm>>
    %dma_start3A_184 = tpu.memref_squeeze %dma_start3A_183 : memref<1x96x1024xf32, #tpu.memory_space<hbm>> -> memref<96x1024xf32, #tpu.memory_space<hbm>>
    %dma_start3A_185 = arith.constant 0 : i32
    %dma_start3A_186 = tpu.memref_slice %arg3[%add3A_92, %mul3A_94, %dma_start3A_185] : memref<256x192x1024xf32, #tpu.memory_space<hbm>> -> memref<1x96x1024xf32, #tpu.memory_space<hbm>>
    %dma_start3A_187 = tpu.memref_squeeze %dma_start3A_186 : memref<1x96x1024xf32, #tpu.memory_space<hbm>> -> memref<96x1024xf32, #tpu.memory_space<hbm>>
    tpu.enqueue_dma source(%arg4 : memref<96x1024xf32, #tpu.memory_space<vmem>>) target(%dma_start3A_187 : memref<96x1024xf32, #tpu.memory_space<hbm>>) target_semaphore(%arg5 : memref<!tpu.dma_semaphore, #tpu.memory_space<semaphore_mem>>)
    %dma_start3A_188 = arith.constant 0 : i32
    %dma_start3A_189 = tpu.memref_slice %arg3[%add3A_96, %mul3A_98, %dma_start3A_188] : memref<256x192x1024xf32, #tpu.memory_space<hbm>> -> memref<1x96x1024xf32, #tpu.memory_space<hbm>>
    %dma_start3A_190 = tpu.memref_squeeze %dma_start3A_189 : memref<1x96x1024xf32, #tpu.memory_space<hbm>> -> memref<96x1024xf32, #tpu.memory_space<hbm>>
    %dma_start3A_191 = arith.constant 0 : i32
    %dma_start3A_192 = tpu.memref_slice %arg3[%add3A_96, %mul3A_98, %dma_start3A_191] : memref<256x192x1024xf32, #tpu.memory_space<hbm>> -> memref<1x96x1024xf32, #tpu.memory_space<hbm>>
    %dma_start3A_193 = tpu.memref_squeeze %dma_start3A_192 : memref<1x96x1024xf32, #tpu.memory_space<hbm>> -> memref<96x1024xf32, #tpu.memory_space<hbm>>
    tpu.enqueue_dma source(%arg4 : memref<96x1024xf32, #tpu.memory_space<vmem>>) target(%dma_start3A_193 : memref<96x1024xf32, #tpu.memory_space<hbm>>) target_semaphore(%arg5 : memref<!tpu.dma_semaphore, #tpu.memory_space<semaphore_mem>>)
    %dma_wait3A = arith.constant 0 : i32
    %dma_wait3A_194 = tpu.memref_slice %arg3[%add3A_36, %mul3A_38, %dma_wait3A] : memref<256x192x1024xf32, #tpu.memory_space<hbm>> -> memref<1x96x1024xf32, #tpu.memory_space<hbm>>
    %dma_wait3A_195 = tpu.memref_squeeze %dma_wait3A_194 : memref<1x96x1024xf32, #tpu.memory_space<hbm>> -> memref<96x1024xf32, #tpu.memory_space<hbm>>
    %dma_wait3A_196 = arith.constant 0 : i32
    %dma_wait3A_197 = tpu.memref_slice %arg3[%add3A_36, %mul3A_38, %dma_wait3A_196] : memref<256x192x1024xf32, #tpu.memory_space<hbm>> -> memref<1x96x1024xf32, #tpu.memory_space<hbm>>
    %dma_wait3A_198 = tpu.memref_squeeze %dma_wait3A_197 : memref<1x96x1024xf32, #tpu.memory_space<hbm>> -> memref<96x1024xf32, #tpu.memory_space<hbm>>
    tpu.wait_dma2 semaphore(%arg5 : memref<!tpu.dma_semaphore, #tpu.memory_space<semaphore_mem>>) src(%arg4 : memref<96x1024xf32, #tpu.memory_space<vmem>>) dst(%dma_wait3A_198 : memref<96x1024xf32, #tpu.memory_space<hbm>>)
    %dma_wait3A_199 = arith.constant 0 : i32
    %dma_wait3A_200 = tpu.memref_slice %arg3[%add3A_40, %mul3A_42, %dma_wait3A_199] : memref<256x192x1024xf32, #tpu.memory_space<hbm>> -> memref<1x96x1024xf32, #tpu.memory_space<hbm>>
    %dma_wait3A_201 = tpu.memref_squeeze %dma_wait3A_200 : memref<1x96x1024xf32, #tpu.memory_space<hbm>> -> memref<96x1024xf32, #tpu.memory_space<hbm>>
    %dma_wait3A_202 = arith.constant 0 : i32
    %dma_wait3A_203 = tpu.memref_slice %arg3[%add3A_40, %mul3A_42, %dma_wait3A_202] : memref<256x192x1024xf32, #tpu.memory_space<hbm>> -> memref<1x96x1024xf32, #tpu.memory_space<hbm>>
    %dma_wait3A_204 = tpu.memref_squeeze %dma_wait3A_203 : memref<1x96x1024xf32, #tpu.memory_space<hbm>> -> memref<96x1024xf32, #tpu.memory_space<hbm>>
    tpu.wait_dma2 semaphore(%arg5 : memref<!tpu.dma_semaphore, #tpu.memory_space<semaphore_mem>>) src(%arg4 : memref<96x1024xf32, #tpu.memory_space<vmem>>) dst(%dma_wait3A_204 : memref<96x1024xf32, #tpu.memory_space<hbm>>)
    %dma_wait3A_205 = arith.constant 0 : i32
    %dma_wait3A_206 = tpu.memref_slice %arg3[%add3A_44, %mul3A_46, %dma_wait3A_205] : memref<256x192x1024xf32, #tpu.memory_space<hbm>> -> memref<1x96x1024xf32, #tpu.memory_space<hbm>>
    %dma_wait3A_207 = tpu.memref_squeeze %dma_wait3A_206 : memref<1x96x1024xf32, #tpu.memory_space<hbm>> -> memref<96x1024xf32, #tpu.memory_space<hbm>>
    %dma_wait3A_208 = arith.constant 0 : i32
    %dma_wait3A_209 = tpu.memref_slice %arg3[%add3A_44, %mul3A_46, %dma_wait3A_208] : memref<256x192x1024xf32, #tpu.memory_space<hbm>> -> memref<1x96x1024xf32, #tpu.memory_space<hbm>>
    %dma_wait3A_210 = tpu.memref_squeeze %dma_wait3A_209 : memref<1x96x1024xf32, #tpu.memory_space<hbm>> -> memref<96x1024xf32, #tpu.memory_space<hbm>>
    tpu.wait_dma2 semaphore(%arg5 : memref<!tpu.dma_semaphore, #tpu.memory_space<semaphore_mem>>) src(%arg4 : memref<96x1024xf32, #tpu.memory_space<vmem>>) dst(%dma_wait3A_210 : memref<96x1024xf32, #tpu.memory_space<hbm>>)
    %dma_wait3A_211 = arith.constant 0 : i32
    %dma_wait3A_212 = tpu.memref_slice %arg3[%add3A_48, %mul3A_50, %dma_wait3A_211] : memref<256x192x1024xf32, #tpu.memory_space<hbm>> -> memref<1x96x1024xf32, #tpu.memory_space<hbm>>
    %dma_wait3A_213 = tpu.memref_squeeze %dma_wait3A_212 : memref<1x96x1024xf32, #tpu.memory_space<hbm>> -> memref<96x1024xf32, #tpu.memory_space<hbm>>
    %dma_wait3A_214 = arith.constant 0 : i32
    %dma_wait3A_215 = tpu.memref_slice %arg3[%add3A_48, %mul3A_50, %dma_wait3A_214] : memref<256x192x1024xf32, #tpu.memory_space<hbm>> -> memref<1x96x1024xf32, #tpu.memory_space<hbm>>
    %dma_wait3A_216 = tpu.memref_squeeze %dma_wait3A_215 : memref<1x96x1024xf32, #tpu.memory_space<hbm>> -> memref<96x1024xf32, #tpu.memory_space<hbm>>
    tpu.wait_dma2 semaphore(%arg5 : memref<!tpu.dma_semaphore, #tpu.memory_space<semaphore_mem>>) src(%arg4 : memref<96x1024xf32, #tpu.memory_space<vmem>>) dst(%dma_wait3A_216 : memref<96x1024xf32, #tpu.memory_space<hbm>>)
    %dma_wait3A_217 = arith.constant 0 : i32
    %dma_wait3A_218 = tpu.memref_slice %arg3[%add3A_52, %mul3A_54, %dma_wait3A_217] : memref<256x192x1024xf32, #tpu.memory_space<hbm>> -> memref<1x96x1024xf32, #tpu.memory_space<hbm>>
    %dma_wait3A_219 = tpu.memref_squeeze %dma_wait3A_218 : memref<1x96x1024xf32, #tpu.memory_space<hbm>> -> memref<96x1024xf32, #tpu.memory_space<hbm>>
    %dma_wait3A_220 = arith.constant 0 : i32
    %dma_wait3A_221 = tpu.memref_slice %arg3[%add3A_52, %mul3A_54, %dma_wait3A_220] : memref<256x192x1024xf32, #tpu.memory_space<hbm>> -> memref<1x96x1024xf32, #tpu.memory_space<hbm>>
    %dma_wait3A_222 = tpu.memref_squeeze %dma_wait3A_221 : memref<1x96x1024xf32, #tpu.memory_space<hbm>> -> memref<96x1024xf32, #tpu.memory_space<hbm>>
    tpu.wait_dma2 semaphore(%arg5 : memref<!tpu.dma_semaphore, #tpu.memory_space<semaphore_mem>>) src(%arg4 : memref<96x1024xf32, #tpu.memory_space<vmem>>) dst(%dma_wait3A_222 : memref<96x1024xf32, #tpu.memory_space<hbm>>)
    %dma_wait3A_223 = arith.constant 0 : i32
    %dma_wait3A_224 = tpu.memref_slice %arg3[%add3A_56, %mul3A_58, %dma_wait3A_223] : memref<256x192x1024xf32, #tpu.memory_space<hbm>> -> memref<1x96x1024xf32, #tpu.memory_space<hbm>>
    %dma_wait3A_225 = tpu.memref_squeeze %dma_wait3A_224 : memref<1x96x1024xf32, #tpu.memory_space<hbm>> -> memref<96x1024xf32, #tpu.memory_space<hbm>>
    %dma_wait3A_226 = arith.constant 0 : i32
    %dma_wait3A_227 = tpu.memref_slice %arg3[%add3A_56, %mul3A_58, %dma_wait3A_226] : memref<256x192x1024xf32, #tpu.memory_space<hbm>> -> memref<1x96x1024xf32, #tpu.memory_space<hbm>>
    %dma_wait3A_228 = tpu.memref_squeeze %dma_wait3A_227 : memref<1x96x1024xf32, #tpu.memory_space<hbm>> -> memref<96x1024xf32, #tpu.memory_space<hbm>>
    tpu.wait_dma2 semaphore(%arg5 : memref<!tpu.dma_semaphore, #tpu.memory_space<semaphore_mem>>) src(%arg4 : memref<96x1024xf32, #tpu.memory_space<vmem>>) dst(%dma_wait3A_228 : memref<96x1024xf32, #tpu.memory_space<hbm>>)
    %dma_wait3A_229 = arith.constant 0 : i32
    %dma_wait3A_230 = tpu.memref_slice %arg3[%add3A_60, %mul3A_62, %dma_wait3A_229] : memref<256x192x1024xf32, #tpu.memory_space<hbm>> -> memref<1x96x1024xf32, #tpu.memory_space<hbm>>
    %dma_wait3A_231 = tpu.memref_squeeze %dma_wait3A_230 : memref<1x96x1024xf32, #tpu.memory_space<hbm>> -> memref<96x1024xf32, #tpu.memory_space<hbm>>
    %dma_wait3A_232 = arith.constant 0 : i32
    %dma_wait3A_233 = tpu.memref_slice %arg3[%add3A_60, %mul3A_62, %dma_wait3A_232] : memref<256x192x1024xf32, #tpu.memory_space<hbm>> -> memref<1x96x1024xf32, #tpu.memory_space<hbm>>
    %dma_wait3A_234 = tpu.memref_squeeze %dma_wait3A_233 : memref<1x96x1024xf32, #tpu.memory_space<hbm>> -> memref<96x1024xf32, #tpu.memory_space<hbm>>
    tpu.wait_dma2 semaphore(%arg5 : memref<!tpu.dma_semaphore, #tpu.memory_space<semaphore_mem>>) src(%arg4 : memref<96x1024xf32, #tpu.memory_space<vmem>>) dst(%dma_wait3A_234 : memref<96x1024xf32, #tpu.memory_space<hbm>>)
    %dma_wait3A_235 = arith.constant 0 : i32
    %dma_wait3A_236 = tpu.memref_slice %arg3[%add3A_64, %mul3A_66, %dma_wait3A_235] : memref<256x192x1024xf32, #tpu.memory_space<hbm>> -> memref<1x96x1024xf32, #tpu.memory_space<hbm>>
    %dma_wait3A_237 = tpu.memref_squeeze %dma_wait3A_236 : memref<1x96x1024xf32, #tpu.memory_space<hbm>> -> memref<96x1024xf32, #tpu.memory_space<hbm>>
    %dma_wait3A_238 = arith.constant 0 : i32
    %dma_wait3A_239 = tpu.memref_slice %arg3[%add3A_64, %mul3A_66, %dma_wait3A_238] : memref<256x192x1024xf32, #tpu.memory_space<hbm>> -> memref<1x96x1024xf32, #tpu.memory_space<hbm>>
    %dma_wait3A_240 = tpu.memref_squeeze %dma_wait3A_239 : memref<1x96x1024xf32, #tpu.memory_space<hbm>> -> memref<96x1024xf32, #tpu.memory_space<hbm>>
    tpu.wait_dma2 semaphore(%arg5 : memref<!tpu.dma_semaphore, #tpu.memory_space<semaphore_mem>>) src(%arg4 : memref<96x1024xf32, #tpu.memory_space<vmem>>) dst(%dma_wait3A_240 : memref<96x1024xf32, #tpu.memory_space<hbm>>)
    %dma_wait3A_241 = arith.constant 0 : i32
    %dma_wait3A_242 = tpu.memref_slice %arg3[%add3A_68, %mul3A_70, %dma_wait3A_241] : memref<256x192x1024xf32, #tpu.memory_space<hbm>> -> memref<1x96x1024xf32, #tpu.memory_space<hbm>>
    %dma_wait3A_243 = tpu.memref_squeeze %dma_wait3A_242 : memref<1x96x1024xf32, #tpu.memory_space<hbm>> -> memref<96x1024xf32, #tpu.memory_space<hbm>>
    %dma_wait3A_244 = arith.constant 0 : i32
    %dma_wait3A_245 = tpu.memref_slice %arg3[%add3A_68, %mul3A_70, %dma_wait3A_244] : memref<256x192x1024xf32, #tpu.memory_space<hbm>> -> memref<1x96x1024xf32, #tpu.memory_space<hbm>>
    %dma_wait3A_246 = tpu.memref_squeeze %dma_wait3A_245 : memref<1x96x1024xf32, #tpu.memory_space<hbm>> -> memref<96x1024xf32, #tpu.memory_space<hbm>>
    tpu.wait_dma2 semaphore(%arg5 : memref<!tpu.dma_semaphore, #tpu.memory_space<semaphore_mem>>) src(%arg4 : memref<96x1024xf32, #tpu.memory_space<vmem>>) dst(%dma_wait3A_246 : memref<96x1024xf32, #tpu.memory_space<hbm>>)
    %dma_wait3A_247 = arith.constant 0 : i32
    %dma_wait3A_248 = tpu.memref_slice %arg3[%add3A_72, %mul3A_74, %dma_wait3A_247] : memref<256x192x1024xf32, #tpu.memory_space<hbm>> -> memref<1x96x1024xf32, #tpu.memory_space<hbm>>
    %dma_wait3A_249 = tpu.memref_squeeze %dma_wait3A_248 : memref<1x96x1024xf32, #tpu.memory_space<hbm>> -> memref<96x1024xf32, #tpu.memory_space<hbm>>
    %dma_wait3A_250 = arith.constant 0 : i32
    %dma_wait3A_251 = tpu.memref_slice %arg3[%add3A_72, %mul3A_74, %dma_wait3A_250] : memref<256x192x1024xf32, #tpu.memory_space<hbm>> -> memref<1x96x1024xf32, #tpu.memory_space<hbm>>
    %dma_wait3A_252 = tpu.memref_squeeze %dma_wait3A_251 : memref<1x96x1024xf32, #tpu.memory_space<hbm>> -> memref<96x1024xf32, #tpu.memory_space<hbm>>
    tpu.wait_dma2 semaphore(%arg5 : memref<!tpu.dma_semaphore, #tpu.memory_space<semaphore_mem>>) src(%arg4 : memref<96x1024xf32, #tpu.memory_space<vmem>>) dst(%dma_wait3A_252 : memref<96x1024xf32, #tpu.memory_space<hbm>>)
    %dma_wait3A_253 = arith.constant 0 : i32
    %dma_wait3A_254 = tpu.memref_slice %arg3[%add3A_76, %mul3A_78, %dma_wait3A_253] : memref<256x192x1024xf32, #tpu.memory_space<hbm>> -> memref<1x96x1024xf32, #tpu.memory_space<hbm>>
    %dma_wait3A_255 = tpu.memref_squeeze %dma_wait3A_254 : memref<1x96x1024xf32, #tpu.memory_space<hbm>> -> memref<96x1024xf32, #tpu.memory_space<hbm>>
    %dma_wait3A_256 = arith.constant 0 : i32
    %dma_wait3A_257 = tpu.memref_slice %arg3[%add3A_76, %mul3A_78, %dma_wait3A_256] : memref<256x192x1024xf32, #tpu.memory_space<hbm>> -> memref<1x96x1024xf32, #tpu.memory_space<hbm>>
    %dma_wait3A_258 = tpu.memref_squeeze %dma_wait3A_257 : memref<1x96x1024xf32, #tpu.memory_space<hbm>> -> memref<96x1024xf32, #tpu.memory_space<hbm>>
    tpu.wait_dma2 semaphore(%arg5 : memref<!tpu.dma_semaphore, #tpu.memory_space<semaphore_mem>>) src(%arg4 : memref<96x1024xf32, #tpu.memory_space<vmem>>) dst(%dma_wait3A_258 : memref<96x1024xf32, #tpu.memory_space<hbm>>)
    %dma_wait3A_259 = arith.constant 0 : i32
    %dma_wait3A_260 = tpu.memref_slice %arg3[%add3A_80, %mul3A_82, %dma_wait3A_259] : memref<256x192x1024xf32, #tpu.memory_space<hbm>> -> memref<1x96x1024xf32, #tpu.memory_space<hbm>>
    %dma_wait3A_261 = tpu.memref_squeeze %dma_wait3A_260 : memref<1x96x1024xf32, #tpu.memory_space<hbm>> -> memref<96x1024xf32, #tpu.memory_space<hbm>>
    %dma_wait3A_262 = arith.constant 0 : i32
    %dma_wait3A_263 = tpu.memref_slice %arg3[%add3A_80, %mul3A_82, %dma_wait3A_262] : memref<256x192x1024xf32, #tpu.memory_space<hbm>> -> memref<1x96x1024xf32, #tpu.memory_space<hbm>>
    %dma_wait3A_264 = tpu.memref_squeeze %dma_wait3A_263 : memref<1x96x1024xf32, #tpu.memory_space<hbm>> -> memref<96x1024xf32, #tpu.memory_space<hbm>>
    tpu.wait_dma2 semaphore(%arg5 : memref<!tpu.dma_semaphore, #tpu.memory_space<semaphore_mem>>) src(%arg4 : memref<96x1024xf32, #tpu.memory_space<vmem>>) dst(%dma_wait3A_264 : memref<96x1024xf32, #tpu.memory_space<hbm>>)
    %dma_wait3A_265 = arith.constant 0 : i32
    %dma_wait3A_266 = tpu.memref_slice %arg3[%add3A_84, %mul3A_86, %dma_wait3A_265] : memref<256x192x1024xf32, #tpu.memory_space<hbm>> -> memref<1x96x1024xf32, #tpu.memory_space<hbm>>
    %dma_wait3A_267 = tpu.memref_squeeze %dma_wait3A_266 : memref<1x96x1024xf32, #tpu.memory_space<hbm>> -> memref<96x1024xf32, #tpu.memory_space<hbm>>
    %dma_wait3A_268 = arith.constant 0 : i32
    %dma_wait3A_269 = tpu.memref_slice %arg3[%add3A_84, %mul3A_86, %dma_wait3A_268] : memref<256x192x1024xf32, #tpu.memory_space<hbm>> -> memref<1x96x1024xf32, #tpu.memory_space<hbm>>
    %dma_wait3A_270 = tpu.memref_squeeze %dma_wait3A_269 : memref<1x96x1024xf32, #tpu.memory_space<hbm>> -> memref<96x1024xf32, #tpu.memory_space<hbm>>
    tpu.wait_dma2 semaphore(%arg5 : memref<!tpu.dma_semaphore, #tpu.memory_space<semaphore_mem>>) src(%arg4 : memref<96x1024xf32, #tpu.memory_space<vmem>>) dst(%dma_wait3A_270 : memref<96x1024xf32, #tpu.memory_space<hbm>>)
    %dma_wait3A_271 = arith.constant 0 : i32
    %dma_wait3A_272 = tpu.memref_slice %arg3[%add3A_88, %mul3A_90, %dma_wait3A_271] : memref<256x192x1024xf32, #tpu.memory_space<hbm>> -> memref<1x96x1024xf32, #tpu.memory_space<hbm>>
    %dma_wait3A_273 = tpu.memref_squeeze %dma_wait3A_272 : memref<1x96x1024xf32, #tpu.memory_space<hbm>> -> memref<96x1024xf32, #tpu.memory_space<hbm>>
    %dma_wait3A_274 = arith.constant 0 : i32
    %dma_wait3A_275 = tpu.memref_slice %arg3[%add3A_88, %mul3A_90, %dma_wait3A_274] : memref<256x192x1024xf32, #tpu.memory_space<hbm>> -> memref<1x96x1024xf32, #tpu.memory_space<hbm>>
    %dma_wait3A_276 = tpu.memref_squeeze %dma_wait3A_275 : memref<1x96x1024xf32, #tpu.memory_space<hbm>> -> memref<96x1024xf32, #tpu.memory_space<hbm>>
    tpu.wait_dma2 semaphore(%arg5 : memref<!tpu.dma_semaphore, #tpu.memory_space<semaphore_mem>>) src(%arg4 : memref<96x1024xf32, #tpu.memory_space<vmem>>) dst(%dma_wait3A_276 : memref<96x1024xf32, #tpu.memory_space<hbm>>)
    %dma_wait3A_277 = arith.constant 0 : i32
    %dma_wait3A_278 = tpu.memref_slice %arg3[%add3A_92, %mul3A_94, %dma_wait3A_277] : memref<256x192x1024xf32, #tpu.memory_space<hbm>> -> memref<1x96x1024xf32, #tpu.memory_space<hbm>>
    %dma_wait3A_279 = tpu.memref_squeeze %dma_wait3A_278 : memref<1x96x1024xf32, #tpu.memory_space<hbm>> -> memref<96x1024xf32, #tpu.memory_space<hbm>>
    %dma_wait3A_280 = arith.constant 0 : i32
    %dma_wait3A_281 = tpu.memref_slice %arg3[%add3A_92, %mul3A_94, %dma_wait3A_280] : memref<256x192x1024xf32, #tpu.memory_space<hbm>> -> memref<1x96x1024xf32, #tpu.memory_space<hbm>>
    %dma_wait3A_282 = tpu.memref_squeeze %dma_wait3A_281 : memref<1x96x1024xf32, #tpu.memory_space<hbm>> -> memref<96x1024xf32, #tpu.memory_space<hbm>>
    tpu.wait_dma2 semaphore(%arg5 : memref<!tpu.dma_semaphore, #tpu.memory_space<semaphore_mem>>) src(%arg4 : memref<96x1024xf32, #tpu.memory_space<vmem>>) dst(%dma_wait3A_282 : memref<96x1024xf32, #tpu.memory_space<hbm>>)
    %dma_wait3A_283 = arith.constant 0 : i32
    %dma_wait3A_284 = tpu.memref_slice %arg3[%add3A_96, %mul3A_98, %dma_wait3A_283] : memref<256x192x1024xf32, #tpu.memory_space<hbm>> -> memref<1x96x1024xf32, #tpu.memory_space<hbm>>
    %dma_wait3A_285 = tpu.memref_squeeze %dma_wait3A_284 : memref<1x96x1024xf32, #tpu.memory_space<hbm>> -> memref<96x1024xf32, #tpu.memory_space<hbm>>
    %dma_wait3A_286 = arith.constant 0 : i32
    %dma_wait3A_287 = tpu.memref_slice %arg3[%add3A_96, %mul3A_98, %dma_wait3A_286] : memref<256x192x1024xf32, #tpu.memory_space<hbm>> -> memref<1x96x1024xf32, #tpu.memory_space<hbm>>
    %dma_wait3A_288 = tpu.memref_squeeze %dma_wait3A_287 : memref<1x96x1024xf32, #tpu.memory_space<hbm>> -> memref<96x1024xf32, #tpu.memory_space<hbm>>
    tpu.wait_dma2 semaphore(%arg5 : memref<!tpu.dma_semaphore, #tpu.memory_space<semaphore_mem>>) src(%arg4 : memref<96x1024xf32, #tpu.memory_space<vmem>>) dst(%dma_wait3A_288 : memref<96x1024xf32, #tpu.memory_space<hbm>>)
    return
  }
}

</mosaic_0001>

<sc_bundles>
// kernel: kernel.3.cloned.1.call-start
scs
__scs_entry_jumppad:
0x0: {  	(pc) =	sbr.rel $0x88, $3  }
0x1: {  	(tag) =	ssettag $0x0;
	lr =	simm.s32 $0x1  }
0x2: {  	[smem:$0x3FA0] =	sst lr;
	_ =	strace $0xD0000000  }
0x3: {  	_ = 	snop  }
0x4: {  	_ = 	snop  }
0x5: {  	_ = 	snop  }
0x6: {  	_ = 	snop  }
0x7: {  	_ = 	snop  }
__scs_overlays_trampoline_lowered:
0x8: {  	[smem:$0x3FAF] =	sst s0  }
0x9: {  	[smem:$0x3FB0] =	sst s1  }
0xa: {  	[smem:$0x3FB1] =	sst s2  }
0xb: {  	[smem:$0x3FB2] =	sst s3  }
0xc: {  	[smem:$0x3FB3] =	sst s4  }
0xd: {  	[smem:$0x3FB4] =	sst s5  }
0xe: {  	[smem:$0x3FB5] =	sst s6  }
0xf: {  	[smem:$0x3FB6] =	sst s7  }
0x10: {  	[smem:$0x3FB7] =	sst s8  }
0x11: {  	[smem:$0x3FB8] =	sst s9;
	s0 =	simm.s32 @!p0 $0x0  }
0x12: {  	s1 =	sld [smem:$0x3F9E];
	s0 =	simm.s32 @p0 $0x1  }
0x13: {  	[smem:$0x3FB9] =	sst s0;
	s0 =	simm.s32 @!p1 $0x0  }
0x14: {  	s2 =	sld [smem:$0x3F9D];
	s0 =	simm.s32 @p1 $0x1  }
0x15: {  	[smem:$0x3FBA] =	sst s0;
	s0 =	simm.s32 @!p2 $0x0  }
0x16: {  	s3 =	sld [smem:$0x3FDB];
	s0 =	simm.s32 @p2 $0x1  }
0x17: {  	s4 =	simm.s32 $0x1BF5;
	[smem:$0x3FBC] =	sst s0  }
0x18: {  	s0 =	sld [smem:$0x3F9F];
	_ =	swait.ge [sflag:s4], $0x0  }
0x19: {  	s7 =	sld [smem:$0x3FA0]  }
0x1a: {  	s8 =	sadd.s32 $0xFFFFE003, lr  }
0x1b: {  	s9 =	sadd.s32 $0xFFFFFEF7, lr;
	s5 =	simm.s32 $0xFFFFFFFF;
	p2 =	slt.u32 s8, $0xFFFFF086  }
0x1c: {  	p1 =	slt.u32 s9, $0xF7A;
	s5 =	simm.s32 @!p2 $0x0  }
0x1d: {  	s5 =	simm.s32 @p1 $0x1;
	p0 =	seq.s32 s7, s2  }
0x1e: {  	s7 =	smul.u32 @!p0 $0xF7A, s2;
	p2 =	seq.s32 @!p0 s5, $0x0  }
0x1f: {  	s9 =	smul.u32 $0xF7A, s1;
	s8 =	simm.s32 @!p0 $0x1BF5;
	p2 =	por !p2, p0  }
0x20: {  	[sflag:s8] =	ssyncset.s32 @!p0 $0xFFFFF086;
	s6 =	sadd.s32 @!p0 s3, s7;
	s7 =	simm.s32 @!p0 $0x108  }
0x21: {  	s3 =	sadd.s32 s3, s9;
	s6 =	sadd.s32 @!p0 $0x88, s6;
	s7 =	simm.s32 @p2 $0x1082  }
0x22: {  	[simem:s7], [sflag:s8] =	dma.local @!p0 [hbm:s6], $0xF7A  }
0x23: {  	s9 =	sor.u32 $0xD0000000, s2;
	s6 =	simm.s32 $0x108;
	_ =	swait.ge @!p0 [sflag:s8], $0x0  }
0x24: {  	s3 =	sadd.s32 $0x88, s3;
	s6 =	simm.s32 @!p1 $0x1082;
	[sflag:s4] =	ssyncset.s32 $0xFFFFF086  }
0x25: {  	[simem:s6], [sflag:s4] =	dma.local [hbm:s3], $0xF7A  }
0x26: {  	[smem:$0x3FA0] =	sst s1;
	(tag) =	ssettag s2;
	_ =	strace s9  }
0x27: {  	s1 =	sld [smem:$0x3FB0]  }
0x28: {  	s2 =	sld [smem:$0x3FB1]  }
0x29: {  	s4 =	sld [smem:$0x3FB3]  }
0x2a: {  	p0 =	seq.s32 s5, $0x0;
	s5 =	sld [smem:$0x3FB4]  }
0x2b: {  	s6 =	sld [smem:$0x3FB5]  }
0x2c: {  	s7 =	sld [smem:$0x3FB6]  }
0x2d: {  	s3 =	simm.s32 $0x108;
	s8 =	sld [smem:$0x3FB7]  }
0x2e: {  	s3 =	simm.s32 @!p0 $0x1082;
	s9 =	sld [smem:$0x3FB8]  }
0x2f: {  	lr =	sadd.s32 s0, s3;
	s0 =	sld [smem:$0x3FAF]  }
0x30: {  	s3 =	sld [smem:$0x3FB2]  }
0x31: {  	[smem:$0x3FBB] =	sst s10  }
0x32: {  	s10 =	sld [smem:$0x3FB9];
	_ =	sdelay $0x3  }
0x33: {  	p0 =	seq.s32 s10, $0x1;
	s10 =	sld [smem:$0x3FBB];
	_ =	sdelay $0x3  }
0x34: {  	[smem:$0x3FBB] =	sst s10  }
0x35: {  	s10 =	sld [smem:$0x3FBA];
	_ =	sdelay $0x3  }
0x36: {  	p1 =	seq.s32 s10, $0x1;
	s10 =	sld [smem:$0x3FBB];
	_ =	sdelay $0x3  }
0x37: {  	[smem:$0x3FBB] =	sst s10  }
0x38: {  	s10 =	sld [smem:$0x3FBC]  }
0x39: {  	_ = 	snop;
	(pc) =	sbr.ind lr, $3  }
0x3a: {  	_ = 	snop  }
0x3b: {  	_ = 	snop  }
0x3c: {  	p2 =	seq.s32 s10, $0x1;
	s10 =	sld [smem:$0x3FBB]  }
0x3d: {  	_ =	shalt  }
0x3e: {  	_ =	shalt  }
0x3f: {  	_ =	shalt  }
0x40: {  	_ =	shalt  }
0x41: {  	_ =	shalt  }
0x42: {  	_ =	shalt  }
0x43: {  	_ =	shalt  }
0x44: {  	_ =	shalt  }
0x45: {  	_ =	shalt  }
0x46: {  	_ =	shalt  }
0x47: {  	_ =	shalt  }
0x48: {  	_ =	shalt  }
0x49: {  	_ =	shalt  }
0x4a: {  	_ =	shalt  }
0x4b: {  	_ =	shalt  }
0x4c: {  	_ =	shalt  }
0x4d: {  	_ =	shalt  }
0x4e: {  	_ =	shalt  }
0x4f: {  	_ =	shalt  }
0x50: {  	_ =	shalt  }
0x51: {  	_ =	shalt  }
0x52: {  	_ =	shalt  }
0x53: {  	_ =	shalt  }
0x54: {  	_ =	shalt  }
0x55: {  	_ =	shalt  }
0x56: {  	_ =	shalt  }
0x57: {  	_ =	shalt  }
0x58: {  	_ =	shalt  }
0x59: {  	_ =	shalt  }
0x5a: {  	_ =	shalt  }
0x5b: {  	_ =	shalt  }
0x5c: {  	_ =	shalt  }
0x5d: {  	_ =	shalt  }
0x5e: {  	_ =	shalt  }
0x5f: {  	_ =	shalt  }
0x60: {  	_ =	shalt  }
0x61: {  	_ =	shalt  }
0x62: {  	_ =	shalt  }
0x63: {  	_ =	shalt  }
0x64: {  	_ =	shalt  }
0x65: {  	_ =	shalt  }
0x66: {  	_ =	shalt  }
0x67: {  	_ =	shalt  }
0x68: {  	_ =	shalt  }
0x69: {  	_ =	shalt  }
0x6a: {  	_ =	shalt  }
0x6b: {  	_ =	shalt  }
0x6c: {  	_ =	shalt  }
0x6d: {  	_ =	shalt  }
0x6e: {  	_ =	shalt  }
0x6f: {  	_ =	shalt  }
0x70: {  	_ =	shalt  }
0x71: {  	_ =	shalt  }
0x72: {  	_ =	shalt  }
0x73: {  	_ =	shalt  }
0x74: {  	_ =	shalt  }
0x75: {  	_ =	shalt  }
0x76: {  	_ =	shalt  }
0x77: {  	_ =	shalt  }
0x78: {  	_ =	shalt  }
0x79: {  	_ =	shalt  }
0x7a: {  	_ =	shalt  }
0x7b: {  	_ =	shalt  }
0x7c: {  	_ =	shalt  }
0x7d: {  	_ =	shalt  }
0x7e: {  	_ =	shalt  }
0x7f: {  	_ =	shalt  }
0x80: {  	_ =	shalt  }
0x81: {  	_ =	shalt  }
0x82: {  	_ =	shalt  }
0x83: {  	_ =	shalt  }
0x84: {  	_ =	shalt  }
0x85: {  	_ =	shalt  }
0x86: {  	_ =	shalt  }
0x87: {  	_ =	shalt  }
.Lfunc_end0:
.L_simem_size_0:
called_computation_lowered:
.L_overlay_start_0:
0x88: {  	s2 =	sld [smem:$0x3FD9]  }
0x89: {  	s3 =	sld [smem:$0x3FFE];
	_ =	sdelay $0x1  }
0x8a: {  	s1 =	srdreg.scid  }
0x8b: {  	s0 =	sand.u32 $0x1, s1  }
0x8c: {  	s18 =	sshll.u32 s0, $0xA;
	s2 =	sadd.s32 s3, s2  }
0x8d: {  	s2 =	sadd.s32 s2, s18  }
0x8e: {  	[smem:$0x3FC7] =	sst s2  }
0x8f: {  	_ = 	snop  }
0x90: {  	s2 =	sld [smem:$0x3FC9]  }
0x91: {  	s19 =	sld [smem:$0x3FD0];
	(tm) =	ssettm $0x1  }
0x92: {  	s4 =	sld [smem:$0x3FFB];
	_ =	sdelay $0x3  }
0x93: {  	_ =	strace s4  }
0x94: {  	s4 =	sld [smem:$0x3FFC];
	_ =	sdelay $0x3  }
0x95: {  	_ =	strace s4  }
0x96: {  	s4 =	sld [smem:$0x3FFD];
	_ =	sdelay $0x3  }
0x97: {  	_ =	strace s4  }
0x98: {  	_ =	strace $0x8FFFFFFF  }
0x99: {  	s20 =	sld [smem:$0x3FDB];
	_ =	sdelay $0x1  }
0x9a: {  	s5 =	simm.s32 $_scs_section_size  }
0x9b: {  	s6 =	simm.s32 $_size__tile_overlayer_lowered;
	s7 =	simm.s32 $_tile_overlayer_lowered  }
0x9c: {  	s23 =	simm.s32 $0x1BFF;
	s22 =	sshll.u32 s7, $0x1;
	s4 =	sadd.s32 s5, s20  }
0x9d: {  	s8 =	simm.s32 $0x0;
	s21 =	sshll.u32 s6, $0x1;
	s6 =	sadd.s32 s22, s4  }
0x9e: {  	[timem:s8], [sflag:s23] =	dma.local [hbm:s6], s21  }
0x9f: {  	_ =	swait.ge [sflag:s23], s21  }
0xa0: {  	s5 =	ssub.s32 $0x0, s21;
	[sflag:s23] =	ssyncset.done $0x0  }
0xa1: {  	[sflag:s23] =	ssyncadd.s32 s5;
	_ =	sdelay $0x1  }
0xa2: {  	s24 =	simm.s32 $0x1B8B  }
0xa3: {  	_ =	swait.ge [sflag:s24], $0x1  }
0xa4: {  	[sflag:s24] =	ssyncset.done $0x0  }
0xa5: {  	s25 =	simm.s32 $0x1B8E;
	[sflag:s24] =	ssyncadd.s32 $0xFFFFFFFF  }
0xa6: {  	s26 =	simm.s32 $execute0_lowered;
	[smem:$0x3FD2] =	sst s25  }
0xa7: {  	s5 =	sshll.u32 s26, $0x1;
	_ =	strace $0x80000046;
	[dreg:$0x1] =	wrdreg $0xFFFFFFFF  }
0xa8: {  	s28 =	simm.s32 $_size_execute0_lowered;
	s4 =	sadd.s32 s4, s5;
	[dreg:$0x0] =	wrdreg $0x0  }
0xa9: {  	s5 =	sshll.u32 s28, $0x1;
	[dreg:$0x2] =	wrdreg s4  }
0xaa: {  	[dreg:$0x3] =	wrdreg s5  }
0xab: {  	[dreg:$0x4] =	wrdreg $0xC0  }
0xac: {  	_ =	task [dreg:s8], $0x5FFFF  }
0xad: {  	[dreg:$0x1] =	wrdreg $0xFFFFFFFF  }
0xae: {  	[dreg:$0x0] =	wrdreg $0x60  }
0xaf: {  	[dreg:$0x2] =	wrdreg s2  }
0xb0: {  	[dreg:$0x3] =	wrdreg s19  }
0xb1: {  	[dreg:$0x4] =	wrdreg $0x9  }
0xb2: {  	_ =	task.clear_ibuf [dreg:s8], $0x5FFFF;
	_ =	strace $0x90000046  }
0xb3: {  	s29 =	simm.s32 $0x9;
	_ =	strace $0x80000048  }
0xb4: {  	_ =	swait.ge [sflag:s29], $0x1  }
0xb5: {  	[sflag:s29] =	ssyncadd.s32 $0xFFFFFFFF  }
0xb6: {  	_ =	strace $0x90000048  }
0xb7: {  	_ =	sfence  }
0xb8: {  	s30 =	sld [smem:$0x0];
	_ =	sdelay $0x2  }
0xb9: {  	s31 =	sshll.u32 s1, $0xD;
	s1 =	sshrl.u32 s1, $0x2  }
0xba: {  	s3 =	sand.u32 $0x4000, s31;
	s1 =	sadd.s32 s1, s30  }
0xbb: {  	s0 =	sor.u32 s3, s0;
	s1 =	sshll.u32 s1, $0x11  }
0xbc: {  	s0 =	sor.u32 s1, s0  }
0xbd: {  	s0 =	sadd.s32 $0x8F2B, s0  }
0xbe: {  	[sflag:s0] =	ssyncadd.remote.s32 $0x1  }
0xbf: {  	_ =	sfence.sel $0xFFFF  }
0xc0: {  	[dreg:$0x0] =	wrdreg $0xFFFFFFFF;
	(pc) =	sbr.abs _section_cstart, $3  }
0xc1: {  	[dreg:$0x1] =	wrdreg $0xFFFFFFFF  }
0xc2: {  	_ =	task.clear_ibuf [dreg:s8], $0x2FFFF;
	_ =	strace $0x9FFFFFFF  }
0xc3: {  	(tm) =	ssettm $0x7FFFFFFF  }
tec
execute0_lowered:
.L_overlay_start_1:
0x0: {  	(tag) =	ssettag $0x1  }
0x1: {  	s3 =	rddreg [dreg:$0x0]  }
0x2: {  	s0 =	srdreg.scid;
	s21 =	rddreg [dreg:$0x1]  }
0x3: {  	s1 =	stileid.u32;
	s6 =	simm.s32 $0x18000;
	s22 =	sand.u32 $0x1, s0  }
0x4: {  	s0 =	rddreg [dreg:$0x2];
	s5 =	sand.u32 $0x1, s1;
	s2 =	sshll.u32 s22, $0x4  }
0x5: {  	p0 =	seq.s32 s5, $0x1;
	s5 =	simm.s32 $0x1;
	s4 =	sor.u32 s1, s2  }
0x6: {  	s2 =	simm.s32 $0x0;
	s6 =	simm.s32 @!p0 $0x0;
	p1 =	seq.s32 s4, $0x0  }
0x7: {  	[smem:$0x7FF] =	sst s2;
	s29 =	sshrl.u32 s6, $0x3;
	p1 =	por !p1, !p0  }
0x8: {  	_ =	strace $0x80000047;
	s3 =	sadd.s32 s3, s29;
	p1 =	por !p1, !p1  }
0x9: {  	[tilespmem:s2], [sflag:$0x2] =	stream.linear.gather [hbm4b:s3+s2], $0x18000, $0x38;
	[tilespmem:$0x18000] =	vst v63  }
0xa: {  	s4 =	sshrl.u32 s4, $0x1;
	s5 =	simm.s32 @!p1 $0x0  }
0xb: {  	s4 =	ssub.s32 s4, s5  }
0xc: {  	s30 =	smul.u32 $0x300000, s4  }
0xd: {  	s4 =	simm.s32 $0x2  }
0xe: {  	_ =	swait.ge [sflag:s4], $0x18000;
	s19 =	sor.u32 s6, s30  }
0xf: {  	[sflag:s4] =	ssyncset.done $0x0;
	s5 =	sshrl.u32 s19, $0x3  }
0x10: {  	[sflag:s4] =	ssyncadd.s32 $0xFFFE8000;
	s5 =	sadd.s32 s21, s5  }
0x11: {  	[hbm4b:s5+s2] =	stream.linear.scatter [tilespmem:s2], [sflag:$0x1], $0x18000, $0x38;
	[tilespmem:$0x18000] =	vst v63  }
0x12: {  	s6 =	sadd.s32 $0x6000, s5  }
0x13: {  	[hbm4b:s6+s2] =	stream.linear.scatter [tilespmem:s2], [sflag:$0x1], $0x18000, $0x38;
	[tilespmem:$0x18000] =	vst v63  }
0x14: {  	s7 =	sadd.s32 $0xC000, s5  }
0x15: {  	[hbm4b:s7+s2] =	stream.linear.scatter [tilespmem:s2], [sflag:$0x1], $0x18000, $0x38;
	[tilespmem:$0x18000] =	vst v63  }
0x16: {  	s10 =	sadd.s32 $0xF0000, s19;
	s8 =	sadd.s32 $0x12000, s5  }
0x17: {  	[hbm4b:s8+s2] =	stream.linear.scatter [tilespmem:s2], [sflag:$0x1], $0x18000, $0x38;
	[tilespmem:$0x18000] =	vst v63  }
0x18: {  	s11 =	sadd.s32 $0x120000, s19;
	s10 =	sshrl.u32 s10, $0x3;
	s9 =	sadd.s32 $0x18000, s5  }
0x19: {  	[hbm4b:s9+s2] =	stream.linear.scatter [tilespmem:s2], [sflag:$0x1], $0x18000, $0x38;
	[tilespmem:$0x18000] =	vst v63  }
0x1a: {  	s12 =	sadd.s32 $0x150000, s19;
	s11 =	sshrl.u32 s11, $0x3;
	s10 =	sadd.s32 s21, s10  }
0x1b: {  	[hbm4b:s10+s2] =	stream.linear.scatter [tilespmem:s2], [sflag:$0x1], $0x18000, $0x38;
	[tilespmem:$0x18000] =	vst v63  }
0x1c: {  	s13 =	sadd.s32 $0x180000, s19;
	s12 =	sshrl.u32 s12, $0x3;
	s11 =	sadd.s32 s21, s11  }
0x1d: {  	[hbm4b:s11+s2] =	stream.linear.scatter [tilespmem:s2], [sflag:$0x1], $0x18000, $0x38;
	[tilespmem:$0x18000] =	vst v63  }
0x1e: {  	s14 =	sadd.s32 $0x1B0000, s19;
	s13 =	sshrl.u32 s13, $0x3;
	s12 =	sadd.s32 s21, s12  }
0x1f: {  	[hbm4b:s12+s2] =	stream.linear.scatter [tilespmem:s2], [sflag:$0x1], $0x18000, $0x38;
	[tilespmem:$0x18000] =	vst v63  }
0x20: {  	s15 =	sadd.s32 $0x1E0000, s19;
	s14 =	sshrl.u32 s14, $0x3;
	s13 =	sadd.s32 s21, s13  }
0x21: {  	[hbm4b:s13+s2] =	stream.linear.scatter [tilespmem:s2], [sflag:$0x1], $0x18000, $0x38;
	[tilespmem:$0x18000] =	vst v63  }
0x22: {  	s16 =	sadd.s32 $0x210000, s19;
	s15 =	sshrl.u32 s15, $0x3;
	s14 =	sadd.s32 s21, s14  }
0x23: {  	[hbm4b:s14+s2] =	stream.linear.scatter [tilespmem:s2], [sflag:$0x1], $0x18000, $0x38;
	[tilespmem:$0x18000] =	vst v63  }
0x24: {  	s17 =	sadd.s32 $0x240000, s19;
	s16 =	sshrl.u32 s16, $0x3;
	s15 =	sadd.s32 s21, s15  }
0x25: {  	[hbm4b:s15+s2] =	stream.linear.scatter [tilespmem:s2], [sflag:$0x1], $0x18000, $0x38;
	[tilespmem:$0x18000] =	vst v63  }
0x26: {  	s18 =	sadd.s32 $0x270000, s19;
	s17 =	sshrl.u32 s17, $0x3;
	s16 =	sadd.s32 s21, s16  }
0x27: {  	[hbm4b:s16+s2] =	stream.linear.scatter [tilespmem:s2], [sflag:$0x1], $0x18000, $0x38;
	[tilespmem:$0x18000] =	vst v63  }
0x28: {  	s20 =	sadd.s32 $0x2A0000, s19;
	s18 =	sshrl.u32 s18, $0x3;
	s17 =	sadd.s32 s21, s17  }
0x29: {  	[hbm4b:s17+s2] =	stream.linear.scatter [tilespmem:s2], [sflag:$0x1], $0x18000, $0x38;
	[tilespmem:$0x18000] =	vst v63  }
0x2a: {  	s23 =	sadd.s32 $0x2D0000, s19;
	s20 =	sshrl.u32 s20, $0x3;
	s18 =	sadd.s32 s21, s18  }
0x2b: {  	[hbm4b:s18+s2] =	stream.linear.scatter [tilespmem:s2], [sflag:$0x1], $0x18000, $0x38;
	[tilespmem:$0x18000] =	vst v63  }
0x2c: {  	s23 =	sshrl.u32 s23, $0x3;
	s19 =	sadd.s32 s21, s20  }
0x2d: {  	[hbm4b:s19+s2] =	stream.linear.scatter [tilespmem:s2], [sflag:$0x1], $0x18000, $0x38;
	[tilespmem:$0x18000] =	vst v63  }
0x2e: {  	s20 =	simm.s32 $0x1;
	s21 =	sadd.s32 s21, s23  }
0x2f: {  	[hbm4b:s21+s2] =	stream.linear.scatter [tilespmem:s2], [sflag:$0x1], $0x18000, $0x38;
	[tilespmem:$0x18000] =	vst v63  }
0x30: {  	_ =	swait.ge [sflag:s20], $0x18000  }
0x31: {  	[sflag:s20] =	ssyncset.done $0x0  }
0x32: {  	[sflag:s20] =	ssyncadd.s32 $0xFFFE8000  }
0x33: {  	_ =	swait.ge [sflag:s20], $0x18000  }
0x34: {  	[sflag:s20] =	ssyncset.done $0x0  }
0x35: {  	[sflag:s20] =	ssyncadd.s32 $0xFFFE8000  }
0x36: {  	_ =	swait.ge [sflag:s20], $0x18000  }
0x37: {  	[sflag:s20] =	ssyncset.done $0x0  }
0x38: {  	[sflag:s20] =	ssyncadd.s32 $0xFFFE8000  }
0x39: {  	_ =	swait.ge [sflag:s20], $0x18000  }
0x3a: {  	[sflag:s20] =	ssyncset.done $0x0  }
0x3b: {  	[sflag:s20] =	ssyncadd.s32 $0xFFFE8000  }
0x3c: {  	_ =	swait.ge [sflag:s20], $0x18000  }
0x3d: {  	[sflag:s20] =	ssyncset.done $0x0  }
0x3e: {  	[sflag:s20] =	ssyncadd.s32 $0xFFFE8000  }
0x3f: {  	_ =	swait.ge [sflag:s20], $0x18000  }
0x40: {  	[sflag:s20] =	ssyncset.done $0x0  }
0x41: {  	[sflag:s20] =	ssyncadd.s32 $0xFFFE8000  }
0x42: {  	_ =	swait.ge [sflag:s20], $0x18000  }
0x43: {  	[sflag:s20] =	ssyncset.done $0x0  }
0x44: {  	[sflag:s20] =	ssyncadd.s32 $0xFFFE8000  }
0x45: {  	_ =	swait.ge [sflag:s20], $0x18000  }
0x46: {  	[sflag:s20] =	ssyncset.done $0x0  }
0x47: {  	[sflag:s20] =	ssyncadd.s32 $0xFFFE8000  }
0x48: {  	_ =	swait.ge [sflag:s20], $0x18000  }
0x49: {  	[sflag:s20] =	ssyncset.done $0x0  }
0x4a: {  	[sflag:s20] =	ssyncadd.s32 $0xFFFE8000  }
0x4b: {  	_ =	swait.ge [sflag:s20], $0x18000  }
0x4c: {  	[sflag:s20] =	ssyncset.done $0x0  }
0x4d: {  	[sflag:s20] =	ssyncadd.s32 $0xFFFE8000  }
0x4e: {  	_ =	swait.ge [sflag:s20], $0x18000  }
0x4f: {  	[sflag:s20] =	ssyncset.done $0x0  }
0x50: {  	[sflag:s20] =	ssyncadd.s32 $0xFFFE8000  }
0x51: {  	_ =	swait.ge [sflag:s20], $0x18000  }
0x52: {  	[sflag:s20] =	ssyncset.done $0x0  }
0x53: {  	[sflag:s20] =	ssyncadd.s32 $0xFFFE8000  }
0x54: {  	_ =	swait.ge [sflag:s20], $0x18000  }
0x55: {  	s22 =	ssub.s32 $0x2, s22;
	[sflag:s20] =	ssyncset.done $0x0  }
0x56: {  	s31 =	sshrl.u32 s22, $0x1;
	[sflag:s20] =	ssyncadd.s32 $0xFFFE8000  }
0x57: {  	s22 =	ssub.s32 s22, s31;
	_ =	swait.ge [sflag:s20], $0x18000  }
0x58: {  	s22 =	smax.u32 s22, $0x1;
	[sflag:s20] =	ssyncset.done $0x0  }
0x59: {  	p0 =	sne.s32 s22, $0x1;
	[sflag:s20] =	ssyncadd.s32 $0xFFFE8000  }
.Ltmp0:
0x5a: {  	_ =	swait.ge [sflag:s20], $0x18000;
	(pc) =	sbr.rel @!p0 .LBB2_2-.Ltmp0, $4  }
0x5b: {  	[sflag:s20] =	ssyncset.done $0x0  }
0x5c: {  	[sflag:s20] =	ssyncadd.s32 $0xFFFE8000  }
0x5d: {  	_ =	swait.ge [sflag:s20], $0x18000  }
0x5e: {  	s22 =	sadd.s32 $0xFFFFFFFF, s22;
	[sflag:s20] =	ssyncset.done $0x0  }
.LBB2_1:
0x5f: {  	p0 =	sne.s32 s22, $0x1;
	s22 =	sadd.s32 $0xFFFFFFFF, s22;
	[sflag:s20] =	ssyncadd.s32 $0xFFFE8000  }
0x60: {  	[tilespmem:s2], [sflag:$0x2] =	stream.linear.gather [hbm4b:s3+s2], $0x18000, $0x38;
	[tilespmem:$0x18000] =	vst v63  }
0x61: {  	_ =	swait.ge [sflag:s4], $0x18000  }
0x62: {  	[sflag:s4] =	ssyncset.done $0x0  }
0x63: {  	[sflag:s4] =	ssyncadd.s32 $0xFFFE8000  }
0x64: {  	[hbm4b:s5+s2] =	stream.linear.scatter [tilespmem:s2], [sflag:$0x1], $0x18000, $0x38;
	[tilespmem:$0x18000] =	vst v63  }
0x65: {  	_ = 	snop  }
0x66: {  	[hbm4b:s6+s2] =	stream.linear.scatter [tilespmem:s2], [sflag:$0x1], $0x18000, $0x38;
	[tilespmem:$0x18000] =	vst v63  }
0x67: {  	_ = 	snop  }
0x68: {  	[hbm4b:s7+s2] =	stream.linear.scatter [tilespmem:s2], [sflag:$0x1], $0x18000, $0x38;
	[tilespmem:$0x18000] =	vst v63  }
0x69: {  	_ = 	snop  }
0x6a: {  	[hbm4b:s8+s2] =	stream.linear.scatter [tilespmem:s2], [sflag:$0x1], $0x18000, $0x38;
	[tilespmem:$0x18000] =	vst v63  }
0x6b: {  	_ = 	snop  }
0x6c: {  	[hbm4b:s9+s2] =	stream.linear.scatter [tilespmem:s2], [sflag:$0x1], $0x18000, $0x38;
	[tilespmem:$0x18000] =	vst v63  }
0x6d: {  	_ = 	snop  }
0x6e: {  	[hbm4b:s10+s2] =	stream.linear.scatter [tilespmem:s2], [sflag:$0x1], $0x18000, $0x38;
	[tilespmem:$0x18000] =	vst v63  }
0x6f: {  	_ = 	snop  }
0x70: {  	[hbm4b:s11+s2] =	stream.linear.scatter [tilespmem:s2], [sflag:$0x1], $0x18000, $0x38;
	[tilespmem:$0x18000] =	vst v63  }
0x71: {  	_ = 	snop  }
0x72: {  	[hbm4b:s12+s2] =	stream.linear.scatter [tilespmem:s2], [sflag:$0x1], $0x18000, $0x38;
	[tilespmem:$0x18000] =	vst v63  }
0x73: {  	_ = 	snop  }
0x74: {  	[hbm4b:s13+s2] =	stream.linear.scatter [tilespmem:s2], [sflag:$0x1], $0x18000, $0x38;
	[tilespmem:$0x18000] =	vst v63  }
0x75: {  	_ = 	snop  }
0x76: {  	[hbm4b:s14+s2] =	stream.linear.scatter [tilespmem:s2], [sflag:$0x1], $0x18000, $0x38;
	[tilespmem:$0x18000] =	vst v63  }
0x77: {  	_ = 	snop  }
0x78: {  	[hbm4b:s15+s2] =	stream.linear.scatter [tilespmem:s2], [sflag:$0x1], $0x18000, $0x38;
	[tilespmem:$0x18000] =	vst v63  }
0x79: {  	_ = 	snop  }
0x7a: {  	[hbm4b:s16+s2] =	stream.linear.scatter [tilespmem:s2], [sflag:$0x1], $0x18000, $0x38;
	[tilespmem:$0x18000] =	vst v63  }
0x7b: {  	_ = 	snop  }
0x7c: {  	[hbm4b:s17+s2] =	stream.linear.scatter [tilespmem:s2], [sflag:$0x1], $0x18000, $0x38;
	[tilespmem:$0x18000] =	vst v63  }
0x7d: {  	_ = 	snop  }
0x7e: {  	[hbm4b:s18+s2] =	stream.linear.scatter [tilespmem:s2], [sflag:$0x1], $0x18000, $0x38;
	[tilespmem:$0x18000] =	vst v63  }
0x7f: {  	_ = 	snop  }
0x80: {  	[hbm4b:s19+s2] =	stream.linear.scatter [tilespmem:s2], [sflag:$0x1], $0x18000, $0x38;
	[tilespmem:$0x18000] =	vst v63  }
0x81: {  	_ = 	snop  }
0x82: {  	[hbm4b:s21+s2] =	stream.linear.scatter [tilespmem:s2], [sflag:$0x1], $0x18000, $0x38;
	[tilespmem:$0x18000] =	vst v63  }
0x83: {  	_ =	swait.ge [sflag:s20], $0x18000  }
0x84: {  	[sflag:s20] =	ssyncset.done $0x0  }
0x85: {  	[sflag:s20] =	ssyncadd.s32 $0xFFFE8000  }
0x86: {  	_ =	swait.ge [sflag:s20], $0x18000  }
0x87: {  	[sflag:s20] =	ssyncset.done $0x0  }
0x88: {  	[sflag:s20] =	ssyncadd.s32 $0xFFFE8000  }
0x89: {  	_ =	swait.ge [sflag:s20], $0x18000  }
0x8a: {  	[sflag:s20] =	ssyncset.done $0x0  }
0x8b: {  	[sflag:s20] =	ssyncadd.s32 $0xFFFE8000  }
0x8c: {  	_ =	swait.ge [sflag:s20], $0x18000  }
0x8d: {  	[sflag:s20] =	ssyncset.done $0x0  }
0x8e: {  	[sflag:s20] =	ssyncadd.s32 $0xFFFE8000  }
0x8f: {  	_ =	swait.ge [sflag:s20], $0x18000  }
0x90: {  	[sflag:s20] =	ssyncset.done $0x0  }
0x91: {  	[sflag:s20] =	ssyncadd.s32 $0xFFFE8000  }
0x92: {  	_ =	swait.ge [sflag:s20], $0x18000  }
0x93: {  	[sflag:s20] =	ssyncset.done $0x0  }
0x94: {  	[sflag:s20] =	ssyncadd.s32 $0xFFFE8000  }
0x95: {  	_ =	swait.ge [sflag:s20], $0x18000  }
0x96: {  	[sflag:s20] =	ssyncset.done $0x0  }
0x97: {  	[sflag:s20] =	ssyncadd.s32 $0xFFFE8000  }
0x98: {  	_ =	swait.ge [sflag:s20], $0x18000  }
0x99: {  	[sflag:s20] =	ssyncset.done $0x0  }
0x9a: {  	[sflag:s20] =	ssyncadd.s32 $0xFFFE8000  }
0x9b: {  	_ =	swait.ge [sflag:s20], $0x18000  }
0x9c: {  	[sflag:s20] =	ssyncset.done $0x0  }
0x9d: {  	[sflag:s20] =	ssyncadd.s32 $0xFFFE8000  }
0x9e: {  	_ =	swait.ge [sflag:s20], $0x18000  }
0x9f: {  	[sflag:s20] =	ssyncset.done $0x0  }
0xa0: {  	[sflag:s20] =	ssyncadd.s32 $0xFFFE8000  }
0xa1: {  	_ =	swait.ge [sflag:s20], $0x18000  }
0xa2: {  	[sflag:s20] =	ssyncset.done $0x0  }
0xa3: {  	[sflag:s20] =	ssyncadd.s32 $0xFFFE8000  }
0xa4: {  	_ =	swait.ge [sflag:s20], $0x18000  }
0xa5: {  	[sflag:s20] =	ssyncset.done $0x0  }
0xa6: {  	[sflag:s20] =	ssyncadd.s32 $0xFFFE8000  }
0xa7: {  	_ =	swait.ge [sflag:s20], $0x18000  }
0xa8: {  	[sflag:s20] =	ssyncset.done $0x0  }
0xa9: {  	[sflag:s20] =	ssyncadd.s32 $0xFFFE8000  }
0xaa: {  	_ =	swait.ge [sflag:s20], $0x18000  }
0xab: {  	[sflag:s20] =	ssyncset.done $0x0  }
0xac: {  	[sflag:s20] =	ssyncadd.s32 $0xFFFE8000  }
.Ltmp1:
0xad: {  	_ =	swait.ge [sflag:s20], $0x18000;
	(pc) =	sbr.rel @p0 .LBB2_1-.Ltmp1, $4  }
0xae: {  	[sflag:s20] =	ssyncset.done $0x0  }
0xaf: {  	[sflag:s20] =	ssyncadd.s32 $0xFFFE8000  }
0xb0: {  	_ =	swait.ge [sflag:s20], $0x18000  }
0xb1: {  	[sflag:s20] =	ssyncset.done $0x0  }
.LBB2_2:
0xb2: {  	[sflag:s20] =	ssyncadd.s32 $0xFFFE8000  }
0xb3: {  	_ =	sfence.sel $0x180000  }
0xb4: {  	[bflag:$0x0] =	sbarrier.arrive $0xFFFF  }
0xb5: {  	p0 =	sne.s32 s1, $0x0;
	_ =	strace $0x90000047  }
0xb6: {  	s0 =	sadd.s32 @!p0 $0x100000, s0;
	[bflag:$0x2] =	sbarrier.arrive $0xFFFF  }
0xb7: {  	[sflag:s0] =	ssyncadd.tile.s32 @!p0 $0x1;
	_ =	shalt  }
.Lfunc_end2:
_tile_overlayer_lowered:
.L_overlay_start_2:
0xb8: {  	(tag) =	ssettag $0x2  }
0xb9: {  	s0 =	rddreg [dreg:$0x0];
	s2 =	stileid.u32  }
0xba: {  	s1 =	rddreg [dreg:$0x1];
	p0 =	sne.s32 s2, $0x0  }
0xbb: {  	s3 =	rddreg [dreg:$0x2];
	[bflag:$0x3] =	sbarrier.arrive $0xFFFF;
	s2 =	simm.s32 @!p0 $0x1C02  }
0xbc: {  	[timem:s3], [sflag:s2] =	dma.local @!p0 [hbm:s0], s1  }
0xbd: {  	s0 =	simm.s32 @!p0 $0x2  }
0xbe: {  	_ =	swait.ge @!p0 [sflag:s0], s1  }
0xbf: {  	s1 =	ssub.s32 @!p0 $0x0, s1;
	[sflag:s0] =	ssyncset.done @!p0 $0x0  }
0xc0: {  	[sflag:s0] =	ssyncadd.s32 @!p0 s1  }
0xc1: {  	[bflag:$0x3] =	sbarrier.arrive $0xFFFF  }
0xc2: {  	_ =	shalt  }

</sc_bundles>
